<compile_context>
chip_gen: v7x
topology: tpu7x:2x2x1
jax: 0.10.2.dev20260603
libtpu: 0.0.44.dev20260713+nightly
codegen_flags: <defaults>
</compile_context>

<pallas_src>
import functools

import jax
import jax.numpy as jnp
from jax import lax
from jax.experimental import pallas as pl
from jax.experimental.pallas import tpu as pltpu
from jax.experimental.pallas import tpu_sc as plsc

_B = 1024
_NS = 2048
_NT = 2048
_D = 128
_NU = 100000
_K = 10

_SC_NC = 2
_SC_NSUB = 16
_SC_NW = _SC_NC * _SC_NSUB
_ROWS_PER_W = _B // _SC_NW


def _sc_gather_build():
    mesh = plsc.VectorSubcoreMesh(core_axis_name="c", subcore_axis_name="s")

    @functools.partial(
        pl.kernel,
        mesh=mesh,
        out_type=jax.ShapeDtypeStruct((_B, _D), jnp.float32),
        scratch_types=[
            pltpu.VMEM((_ROWS_PER_W,), jnp.int32),
            pltpu.VMEM((_ROWS_PER_W, _D), jnp.float32),
            pltpu.SemaphoreType.DMA,
        ],
    )
    def gather_kernel(table_hbm, idx_hbm, out_hbm, idx_v, rows_v, sem):
        wid = lax.axis_index("s") * _SC_NC + lax.axis_index("c")
        base = wid * _ROWS_PER_W
        pltpu.sync_copy(idx_hbm.at[pl.ds(base, _ROWS_PER_W)], idx_v)
        pltpu.async_copy(table_hbm.at[idx_v], rows_v, sem).wait()
        pltpu.sync_copy(rows_v, out_hbm.at[pl.ds(base, _ROWS_PER_W)])

    return gather_kernel


def _bipartite_norm(R):
    du = jnp.sum(R, axis=1, keepdims=True)
    di = jnp.sum(R, axis=0, keepdims=True)
    du = jnp.where(du == 0.0, 1.0, du)
    di = jnp.where(di == 0.0, 1.0, di)
    return R / jnp.sqrt(di) / jnp.sqrt(du)


def _mm_t_lhs(a, b):
    return lax.dot_general(a, b, (((0,), (0,)), ((), ())))


def _user_body(rs_ref, u0_ref, wui1_ref, wui2_ref, wuu1_ref, wuu2_ref,
               ua_w1_ref, ua_b1_ref, ua_w2_ref, ua_b2_ref, out_ref):
    R = rs_ref[...]
    u0 = u0_ref[...]

    Rn = _bipartite_norm(R)
    t = jnp.dot(u0, wui1_ref[...])
    h_i = jax.nn.relu(_mm_t_lhs(Rn, t))
    u_ui = jnp.dot(Rn, jnp.dot(h_i, wui2_ref[...]))

    nrm = jnp.sqrt(jnp.sum(R * R, axis=1, keepdims=True)) + 1e-8
    Rr = R / nrm
    S = lax.dot_general(Rr, Rr, (((1,), (1,)), ((), ())))

    cols = lax.broadcasted_iota(jnp.int32, (_B, _B), 1)
    work = S
    for _ in range(_K):
        m = jnp.max(work, axis=1, keepdims=True)
        first = jnp.min(jnp.where(work == m, cols, jnp.int32(2**30)),
                        axis=1, keepdims=True)
        work = jnp.where(cols == first, -jnp.inf, work)
    acc = jnp.where(work == -jnp.inf, S, 0.0)

    A = 0.5 * (acc + acc.T)
    dr = jnp.sum(A, axis=1, keepdims=True)
    dc = jnp.sum(A, axis=0, keepdims=True)
    dr = jnp.where(dr <= 0.0, 1.0, dr)
    dc = jnp.where(dc <= 0.0, 1.0, dc)
    An = A / jnp.sqrt(dc) / jnp.sqrt(dr)

    h = jax.nn.relu(jnp.dot(An, jnp.dot(u0, wuu1_ref[...])))
    u_uu = jnp.dot(An, jnp.dot(h, wuu2_ref[...]))

    z = jax.nn.relu(jnp.dot(u_ui, ua_w1_ref[0:_D, :])
                    + jnp.dot(u_uu, ua_w1_ref[_D:2 * _D, :])
                    + ua_b1_ref[...])
    out_ref[...] = jnp.dot(z, ua_w2_ref[...]) + ua_b2_ref[...]


def _item_body(rt_ref, it_ref, wt1_ref, wt2_ref, w1_ref, b1_ref, w2_ref,
               b2_ref, out_ref):
    R = rt_ref[...]
    Rn = _bipartite_norm(R)
    s = jnp.dot(it_ref[...], wt1_ref[...])
    h_u = jax.nn.relu(jnp.dot(Rn, s))
    item_t = _mm_t_lhs(Rn, jnp.dot(h_u, wt2_ref[...]))
    z = jax.nn.relu(jnp.dot(item_t, w1_ref[...]) + b1_ref[...])
    out_ref[...] = jnp.dot(z, w2_ref[...]) + b2_ref[...]


def kernel(batch_user, batch_user_ratings_s, batch_user_ratings_t, user_table,
           items_s_embed, items_t_embed, W_ui1, W_ui2, W_t1, W_t2, W_uu1,
           W_uu2, ua_W1, ua_b1, ua_W2, ua_b2, ia_W1, ia_b1, ia_W2, ia_b2):
    del items_s_embed

    u0 = _sc_gather_build()(user_table, batch_user.astype(jnp.int32))

    user_out = pl.pallas_call(
        _user_body,
        out_shape=jax.ShapeDtypeStruct((_B, _D), jnp.float32),
    )(batch_user_ratings_s, u0, W_ui1, W_ui2, W_uu1, W_uu2,
      ua_W1, ua_b1.reshape(1, _D), ua_W2, ua_b2.reshape(1, _D))

    item_out = pl.pallas_call(
        _item_body,
        out_shape=jax.ShapeDtypeStruct((_NT, _D), jnp.float32),
    )(batch_user_ratings_t, items_t_embed, W_t1, W_t2,
      ia_W1, ia_b1.reshape(1, _D), ia_W2, ia_b2.reshape(1, _D))

    return (user_out, item_out)

# --- scband reference (transcript-rebuilt; emitter-appended) ---
"""Pipeline reference for scband-ppgcdr-75539884802423 (READ-ONLY COPY).

The authoritative reference and input builder live on the scoring server;
editing this copy changes nothing except your own understanding.
"""

import jax, jax.numpy as jnp
import numpy as np

B = 1024
NS = 2048
NT = 2048
D = 128
NU = 100000
KNN = 10


def _normalize_bipartite(R):
    b, n = R.shape
    L = b + n
    A = jnp.zeros((L, L), dtype=R.dtype)
    A = A.at[:b, b:].set(R)
    A = A.at[b:, :b].set(R.T)
    deg = A.sum(1)
    deg = jnp.where(deg == 0.0, 1.0, deg)
    ds = jnp.sqrt(deg)
    A = A / ds[None, :]
    A = A / ds[:, None]
    return A


def _knn_graph(R, k):
    Rn = R / (jnp.linalg.norm(R, axis=1, keepdims=True) + 1e-8)
    S = Rn @ Rn.T
    vals, idx = jax.lax.top_k(S, k)
    A = jnp.zeros_like(S).at[jnp.arange(S.shape[0])[:, None], idx].set(vals)
    A = 0.5 * (A + A.T)
    deg = A.sum(1)
    deg = jnp.where(deg <= 0.0, 1.0, deg)
    ds = jnp.sqrt(deg)
    return A / ds[None, :] / ds[:, None]


def _gnn(A, x, W1, W2):
    h = jax.nn.relu(A @ (x @ W1))
    return A @ (h @ W2)


def _mlp2(x, W1, b1, W2, b2):
    return jax.nn.relu(x @ W1 + b1) @ W2 + b2


def setup_inputs(seed: int = 0):
    key = jax.random.key(seed)
    ks = jax.random.split(key, 24)
    s = 1.0 / (D ** 0.5)
    inp = {
        'batch_user': jax.random.randint(ks[0], (B,), 0, NU),
        'batch_user_ratings_s': jax.random.uniform(ks[1], (B, NS)),
        'batch_user_ratings_t': jax.random.uniform(ks[2], (B, NT)),
        'user_table': jax.random.normal(ks[3], (NU, D)) * s,
        'items_s_embed': jax.random.normal(ks[4], (NS, D)) * s,
        'items_t_embed': jax.random.normal(ks[5], (NT, D)) * s,
        'W_ui1': jax.random.normal(ks[6], (D, D)) * s,
        'W_ui2': jax.random.normal(ks[7], (D, D)) * s,
        'W_t1': jax.random.normal(ks[8], (D, D)) * s,
        'W_t2': jax.random.normal(ks[9], (D, D)) * s,
        'W_uu1': jax.random.normal(ks[10], (D, D)) * s,
        'W_uu2': jax.random.normal(ks[11], (D, D)) * s,
        'ua_W1': jax.random.normal(ks[12], (2 * D, D)) * s,
        'ua_b1': jnp.zeros((D,)),
        'ua_W2': jax.random.normal(ks[13], (D, D)) * s,
        'ua_b2': jnp.zeros((D,)),
        'ia_W1': jax.random.normal(ks[14], (D, D)) * s,
        'ia_b1': jnp.zeros((D,)),
        'ia_W2': jax.random.normal(ks[15], (D, D)) * s,
        'ia_b2': jnp.zeros((D,)),
    }
    return inp


def reference(batch_user, batch_user_ratings_s, batch_user_ratings_t, user_table,
              items_s_embed, items_t_embed, W_ui1, W_ui2, W_t1, W_t2, W_uu1, W_uu2,
              ua_W1, ua_b1, ua_W2, ua_b2, ia_W1, ia_b1, ia_W2, ia_b2):
    u0 = jnp.take(user_table, batch_user, axis=0)
    A_s = _normalize_bipartite(batch_user_ratings_s)
    h_s = _gnn(A_s, jnp.concatenate([u0, items_s_embed], axis=0), W_ui1, W_ui2)
    u_ui = h_s[:B]
    A_t = _normalize_bipartite(batch_user_ratings_t)
    h_t = _gnn(A_t, jnp.concatenate([u0, items_t_embed], axis=0), W_t1, W_t2)
    item_t = h_t[B:]
    A_uu = _knn_graph(jax.lax.stop_gradient(batch_user_ratings_s), KNN)
    u_uu = _gnn(A_uu, u0, W_uu1, W_uu2)
    user_out = _mlp2(jnp.concatenate([u_ui, u_uu], axis=-1), ua_W1, ua_b1, ua_W2, ua_b2)
    item_out = _mlp2(item_t, ia_W1, ia_b1, ia_W2, ia_b2)
    return (user_out, item_out)

if __name__ == "__main__":
    import jax
    _d = setup_inputs()
    print(jax.jit(kernel)(*tuple(_d.values())))

</pallas_src>

<mosaic_0001>
#map = affine_map<(d0, d1) -> (0, 0)>
#map1 = affine_map<(d0, d1) -> (0)>
module attributes {stable_mosaic.version = 14 : i64} {
  func.func @gather_kernel(%arg0: i32, %arg1: i32, %arg2: memref<100000x128xf32, #tpu.memory_space<hbm>>, %arg3: memref<1024xi32, #tpu.memory_space<hbm>>, %arg4: memref<1024x128xf32, #tpu.memory_space<hbm>>, %arg5: memref<32xi32, #tpu.memory_space<vmem>>, %arg6: memref<32x128xf32, #tpu.memory_space<vmem>>, %arg7: memref<!tpu.dma_semaphore, #tpu.memory_space<semaphore_mem>>) attributes {dimension_semantics = [#tpu.dimension_semantics<core_parallel>, #tpu.dimension_semantics<subcore_parallel>], iteration_bounds = array<i64: 2, 16>, scalar_prefetch = 0 : i64, scratch_operands = 3 : i64, tpu.core_type = #tpu.core_type<sc_vector_subcore>, window_params = [{transform_indices = #map}, {transform_indices = #map1}, {transform_indices = #map}]} {
    %mul3A = arith.constant 2 : i32
    %mul3A_0 = arith.muli %arg1, %mul3A : i32
    %add3A = arith.addi %mul3A_0, %arg0 : i32
    %mul3A_1 = arith.constant 32 : i32
    %mul3A_2 = arith.muli %add3A, %mul3A_1 : i32
    "tpu.region"() ({
      %run_scoped3A = tpu.sem_alloc : memref<!tpu.dma_semaphore, #tpu.memory_space<semaphore_mem>>
      %dma_start3A_7 = tpu.memref_slice %arg3[%mul3A_2] : memref<1024xi32, #tpu.memory_space<hbm>> -> memref<32xi32, #tpu.memory_space<hbm>>
      %dma_start3A_8 = tpu.memref_slice %arg3[%mul3A_2] : memref<1024xi32, #tpu.memory_space<hbm>> -> memref<32xi32, #tpu.memory_space<hbm>>
      tpu.enqueue_dma source(%dma_start3A_8 : memref<32xi32, #tpu.memory_space<hbm>>) target(%arg5 : memref<32xi32, #tpu.memory_space<vmem>>) target_semaphore(%run_scoped3A : memref<!tpu.dma_semaphore, #tpu.memory_space<semaphore_mem>>)
      %dma_wait3A_9 = tpu.memref_slice %arg3[%mul3A_2] : memref<1024xi32, #tpu.memory_space<hbm>> -> memref<32xi32, #tpu.memory_space<hbm>>
      %dma_wait3A_10 = tpu.memref_slice %arg3[%mul3A_2] : memref<1024xi32, #tpu.memory_space<hbm>> -> memref<32xi32, #tpu.memory_space<hbm>>
      tpu.wait_dma2 semaphore(%run_scoped3A : memref<!tpu.dma_semaphore, #tpu.memory_space<semaphore_mem>>) src(%dma_wait3A_10 : memref<32xi32, #tpu.memory_space<hbm>>) dst(%arg5 : memref<32xi32, #tpu.memory_space<vmem>>)
      tpu.yield
    }) : () -> ()
    %dma_start3A = arith.constant 0 : i32
    %dma_start3A_3 = arith.constant 0 : i32
    %dma_start3A_4 = tpu.memref_slice %arg2[%dma_start3A, %dma_start3A_3] : memref<100000x128xf32, #tpu.memory_space<hbm>> -> memref<100000x128xf32, #tpu.memory_space<hbm>>
    tpu.enqueue_indirect_dma source(%dma_start3A_4 : memref<100000x128xf32, #tpu.memory_space<hbm>>) target(%arg6 : memref<32x128xf32, #tpu.memory_space<vmem>>) offsets(%arg5 : memref<32xi32, #tpu.memory_space<vmem>>) semaphore(%arg7 : memref<!tpu.dma_semaphore, #tpu.memory_space<semaphore_mem>>)
    %dma_wait3A = arith.constant 0 : i32
    %dma_wait3A_5 = arith.constant 0 : i32
    %dma_wait3A_6 = tpu.memref_slice %arg2[%dma_wait3A, %dma_wait3A_5] : memref<100000x128xf32, #tpu.memory_space<hbm>> -> memref<100000x128xf32, #tpu.memory_space<hbm>>
    tpu.wait_indirect_dma semaphore(%arg7 : memref<!tpu.dma_semaphore, #tpu.memory_space<semaphore_mem>>) src(%dma_wait3A_6 : memref<100000x128xf32, #tpu.memory_space<hbm>>) dst(%arg6 : memref<32x128xf32, #tpu.memory_space<vmem>>)
    "tpu.region"() ({
      %run_scoped3A = tpu.sem_alloc : memref<!tpu.dma_semaphore, #tpu.memory_space<semaphore_mem>>
      %dma_start3A_7 = arith.constant 0 : i32
      %dma_start3A_8 = tpu.memref_slice %arg4[%mul3A_2, %dma_start3A_7] : memref<1024x128xf32, #tpu.memory_space<hbm>> -> memref<32x128xf32, #tpu.memory_space<hbm>>
      %dma_start3A_9 = arith.constant 0 : i32
      %dma_start3A_10 = tpu.memref_slice %arg4[%mul3A_2, %dma_start3A_9] : memref<1024x128xf32, #tpu.memory_space<hbm>> -> memref<32x128xf32, #tpu.memory_space<hbm>>
      tpu.enqueue_dma source(%arg6 : memref<32x128xf32, #tpu.memory_space<vmem>>) target(%dma_start3A_10 : memref<32x128xf32, #tpu.memory_space<hbm>>) target_semaphore(%run_scoped3A : memref<!tpu.dma_semaphore, #tpu.memory_space<semaphore_mem>>)
      %dma_wait3A_11 = arith.constant 0 : i32
      %dma_wait3A_12 = tpu.memref_slice %arg4[%mul3A_2, %dma_wait3A_11] : memref<1024x128xf32, #tpu.memory_space<hbm>> -> memref<32x128xf32, #tpu.memory_space<hbm>>
      %dma_wait3A_13 = arith.constant 0 : i32
      %dma_wait3A_14 = tpu.memref_slice %arg4[%mul3A_2, %dma_wait3A_13] : memref<1024x128xf32, #tpu.memory_space<hbm>> -> memref<32x128xf32, #tpu.memory_space<hbm>>
      tpu.wait_dma2 semaphore(%run_scoped3A : memref<!tpu.dma_semaphore, #tpu.memory_space<semaphore_mem>>) src(%arg6 : memref<32x128xf32, #tpu.memory_space<vmem>>) dst(%dma_wait3A_14 : memref<32x128xf32, #tpu.memory_space<hbm>>)
      tpu.yield
    }) : () -> ()
    return
  }
}

module attributes {stable_mosaic.version = 14 : i64} {
  func.func @_user_body(%arg0: memref<1024x2048xf32, #tpu.memory_space<vmem>>, %arg1: memref<1024x128xf32, #tpu.memory_space<vmem>>, %arg2: memref<128x128xf32, #tpu.memory_space<vmem>>, %arg3: memref<128x128xf32, #tpu.memory_space<vmem>>, %arg4: memref<128x128xf32, #tpu.memory_space<vmem>>, %arg5: memref<128x128xf32, #tpu.memory_space<vmem>>, %arg6: memref<256x128xf32, #tpu.memory_space<vmem>>, %arg7: memref<1x128xf32, #tpu.memory_space<vmem>>, %arg8: memref<128x128xf32, #tpu.memory_space<vmem>>, %arg9: memref<1x128xf32, #tpu.memory_space<vmem>>, %arg10: memref<1024x128xf32, #tpu.memory_space<vmem>>) attributes {dimension_semantics = [], scalar_prefetch = 0 : i64, scratch_operands = 0 : i64, tpu.core_type = #tpu.core_type<tc>} {
    %get3A = arith.constant 0 : index
    %get3A_0 = arith.constant 0 : index
    %get3A_1 = vector.load %arg0[%get3A, %get3A_0] : memref<1024x2048xf32, #tpu.memory_space<vmem>>, vector<1024x2048xf32>
    %get3A_2 = arith.constant 0 : index
    %get3A_3 = arith.constant 0 : index
    %get3A_4 = vector.load %arg1[%get3A_2, %get3A_3] : memref<1024x128xf32, #tpu.memory_space<vmem>>, vector<1024x128xf32>
    %reduce_sum3A = arith.constant dense<0.000000e+00> : vector<1024xf32>
    %reduce_sum3A_5 = vector.multi_reduction <add>, %get3A_1, %reduce_sum3A [1] : vector<1024x2048xf32> to vector<1024xf32>
    %broadcast_in_dim3A = vector.shape_cast %reduce_sum3A_5 : vector<1024xf32> to vector<1024x1xf32>
    %reduce_sum3A_6 = arith.constant dense<0.000000e+00> : vector<2048xf32>
    %reduce_sum3A_7 = vector.multi_reduction <add>, %get3A_1, %reduce_sum3A_6 [0] : vector<1024x2048xf32> to vector<2048xf32>
    %broadcast_in_dim3A_8 = vector.shape_cast %reduce_sum3A_7 : vector<2048xf32> to vector<1x2048xf32>
    %eq3A = arith.constant 0.000000e+00 : f32
    %eq3A_9 = vector.broadcast %eq3A : f32 to vector<1024x1xf32>
    %eq3A_10 = arith.cmpf oeq, %broadcast_in_dim3A, %eq3A_9 : vector<1024x1xf32>
    %jit3A = arith.constant 1.000000e+00 : f32
    %broadcast_in_dim3A_11 = vector.broadcast %jit3A : f32 to vector<1024x1xf32>
    %select_n3A = arith.select %eq3A_10, %broadcast_in_dim3A_11, %broadcast_in_dim3A : vector<1024x1xi1>, vector<1024x1xf32>
    %eq3A_12 = arith.constant 0.000000e+00 : f32
    %eq3A_13 = vector.broadcast %eq3A_12 : f32 to vector<1x2048xf32>
    %eq3A_14 = arith.cmpf oeq, %broadcast_in_dim3A_8, %eq3A_13 : vector<1x2048xf32>
    %jit3A_15 = arith.constant 1.000000e+00 : f32
    %broadcast_in_dim3A_16 = vector.broadcast %jit3A_15 : f32 to vector<1x2048xf32>
    %select_n3A_17 = arith.select %eq3A_14, %broadcast_in_dim3A_16, %broadcast_in_dim3A_8 : vector<1x2048xi1>, vector<1x2048xf32>
    %sqrt3A = math.sqrt %select_n3A_17 : vector<1x2048xf32>
    %div3A = vector.broadcast %sqrt3A : vector<1x2048xf32> to vector<1024x2048xf32>
    %div3A_18 = arith.divf %get3A_1, %div3A : vector<1024x2048xf32>
    %sqrt3A_19 = math.sqrt %select_n3A : vector<1024x1xf32>
    %div3A_20 = vector.broadcast %sqrt3A_19 : vector<1024x1xf32> to vector<1024x2048xf32>
    %div3A_21 = arith.divf %div3A_18, %div3A_20 : vector<1024x2048xf32>
    %get3A_22 = arith.constant 0 : index
    %get3A_23 = arith.constant 0 : index
    %get3A_24 = vector.load %arg2[%get3A_22, %get3A_23] : memref<128x128xf32, #tpu.memory_space<vmem>>, vector<128x128xf32>
    %dot_general3A = arith.constant dense<0.000000e+00> : vector<1024x128xf32>
    %dot_general3A_25 = tpu.matmul %get3A_4, %get3A_24, %dot_general3A {dimension_numbers = #tpu.dot_dimension_numbers<[1], [0], [0], [1], [0, 0, 1, 1], [], []>, transpose_lhs_hint = false} : vector<1024x128xf32>, vector<128x128xf32>, vector<1024x128xf32> -> vector<1024x128xf32>
    %dot_general3A_26 = arith.constant dense<0.000000e+00> : vector<2048x128xf32>
    %dot_general3A_27 = tpu.matmul %div3A_21, %dot_general3A_25, %dot_general3A_26 {dimension_numbers = #tpu.dot_dimension_numbers<[0], [0], [1], [1], [0, 1, 1, 1], [], []>, transpose_lhs_hint = false} : vector<1024x2048xf32>, vector<1024x128xf32>, vector<2048x128xf32> -> vector<2048x128xf32>
    %max3A = arith.constant 0.000000e+00 : f32
    %max3A_28 = vector.broadcast %max3A : f32 to vector<2048x128xf32>
    %max3A_29 = arith.maximumf %dot_general3A_27, %max3A_28 : vector<2048x128xf32>
    %get3A_30 = arith.constant 0 : index
    %get3A_31 = arith.constant 0 : index
    %get3A_32 = vector.load %arg3[%get3A_30, %get3A_31] : memref<128x128xf32, #tpu.memory_space<vmem>>, vector<128x128xf32>
    %dot_general3A_33 = arith.constant dense<0.000000e+00> : vector<2048x128xf32>
    %dot_general3A_34 = tpu.matmul %max3A_29, %get3A_32, %dot_general3A_33 {dimension_numbers = #tpu.dot_dimension_numbers<[1], [0], [0], [1], [0, 0, 1, 1], [], []>, transpose_lhs_hint = false} : vector<2048x128xf32>, vector<128x128xf32>, vector<2048x128xf32> -> vector<2048x128xf32>
    %dot_general3A_35 = arith.constant dense<0.000000e+00> : vector<1024x128xf32>
    %dot_general3A_36 = tpu.matmul %div3A_21, %dot_general3A_34, %dot_general3A_35 {dimension_numbers = #tpu.dot_dimension_numbers<[1], [0], [0], [1], [0, 0, 1, 1], [], []>, transpose_lhs_hint = false} : vector<1024x2048xf32>, vector<2048x128xf32>, vector<1024x128xf32> -> vector<1024x128xf32>
    %mul3A = arith.mulf %get3A_1, %get3A_1 : vector<1024x2048xf32>
    %reduce_sum3A_37 = arith.constant dense<0.000000e+00> : vector<1024xf32>
    %reduce_sum3A_38 = vector.multi_reduction <add>, %mul3A, %reduce_sum3A_37 [1] : vector<1024x2048xf32> to vector<1024xf32>
    %broadcast_in_dim3A_39 = vector.shape_cast %reduce_sum3A_38 : vector<1024xf32> to vector<1024x1xf32>
    %sqrt3A_40 = math.sqrt %broadcast_in_dim3A_39 : vector<1024x1xf32>
    %add3A = arith.constant 9.99999993E-9 : f32
    %add3A_41 = vector.broadcast %add3A : f32 to vector<1024x1xf32>
    %add3A_42 = arith.addf %sqrt3A_40, %add3A_41 : vector<1024x1xf32>
    %div3A_43 = vector.broadcast %add3A_42 : vector<1024x1xf32> to vector<1024x2048xf32>
    %div3A_44 = arith.divf %get3A_1, %div3A_43 : vector<1024x2048xf32>
    %dot_general3A_45 = arith.constant dense<0.000000e+00> : vector<1024x1024xf32>
    %dot_general3A_46 = tpu.matmul %div3A_44, %div3A_44, %dot_general3A_45 {dimension_numbers = #tpu.dot_dimension_numbers<[1], [1], [0], [0], [0, 0, 1, 0], [], []>, transpose_lhs_hint = false} : vector<1024x2048xf32>, vector<1024x2048xf32>, vector<1024x1024xf32> -> vector<1024x1024xf32>
    %iota3A = tpu.iota {dimensions = array<i32: 1>} : vector<1024x1024xi32>
    %reduce_max3A = arith.constant dense<0xFF800000> : vector<1024xf32>
    %reduce_max3A_47 = vector.multi_reduction <maximumf>, %dot_general3A_46, %reduce_max3A [1] : vector<1024x1024xf32> to vector<1024xf32>
    %broadcast_in_dim3A_48 = vector.shape_cast %reduce_max3A_47 : vector<1024xf32> to vector<1024x1xf32>
    %eq3A_49 = vector.broadcast %broadcast_in_dim3A_48 : vector<1024x1xf32> to vector<1024x1024xf32>
    %eq3A_50 = arith.cmpf oeq, %dot_general3A_46, %eq3A_49 : vector<1024x1024xf32>
    %jit3A_51 = arith.constant 1073741824 : i32
    %broadcast_in_dim3A_52 = vector.broadcast %jit3A_51 : i32 to vector<1024x1024xi32>
    %select_n3A_53 = arith.select %eq3A_50, %iota3A, %broadcast_in_dim3A_52 : vector<1024x1024xi1>, vector<1024x1024xi32>
    %reduce_min3A = arith.constant dense<2147483647> : vector<1024xi32>
    %reduce_min3A_54 = vector.multi_reduction <minsi>, %select_n3A_53, %reduce_min3A [1] : vector<1024x1024xi32> to vector<1024xi32>
    %broadcast_in_dim3A_55 = vector.shape_cast %reduce_min3A_54 : vector<1024xi32> to vector<1024x1xi32>
    %eq3A_56 = vector.broadcast %broadcast_in_dim3A_55 : vector<1024x1xi32> to vector<1024x1024xi32>
    %eq3A_57 = arith.cmpi eq, %iota3A, %eq3A_56 : vector<1024x1024xi32>
    %jit3A_58 = arith.constant 0xFF800000 : f32
    %broadcast_in_dim3A_59 = vector.broadcast %jit3A_58 : f32 to vector<1024x1024xf32>
    %select_n3A_60 = arith.select %eq3A_57, %broadcast_in_dim3A_59, %dot_general3A_46 : vector<1024x1024xi1>, vector<1024x1024xf32>
    %reduce_max3A_61 = arith.constant dense<0xFF800000> : vector<1024xf32>
    %reduce_max3A_62 = vector.multi_reduction <maximumf>, %select_n3A_60, %reduce_max3A_61 [1] : vector<1024x1024xf32> to vector<1024xf32>
    %broadcast_in_dim3A_63 = vector.shape_cast %reduce_max3A_62 : vector<1024xf32> to vector<1024x1xf32>
    %eq3A_64 = vector.broadcast %broadcast_in_dim3A_63 : vector<1024x1xf32> to vector<1024x1024xf32>
    %eq3A_65 = arith.cmpf oeq, %select_n3A_60, %eq3A_64 : vector<1024x1024xf32>
    %jit3A_66 = arith.constant 1073741824 : i32
    %broadcast_in_dim3A_67 = vector.broadcast %jit3A_66 : i32 to vector<1024x1024xi32>
    %select_n3A_68 = arith.select %eq3A_65, %iota3A, %broadcast_in_dim3A_67 : vector<1024x1024xi1>, vector<1024x1024xi32>
    %reduce_min3A_69 = arith.constant dense<2147483647> : vector<1024xi32>
    %reduce_min3A_70 = vector.multi_reduction <minsi>, %select_n3A_68, %reduce_min3A_69 [1] : vector<1024x1024xi32> to vector<1024xi32>
    %broadcast_in_dim3A_71 = vector.shape_cast %reduce_min3A_70 : vector<1024xi32> to vector<1024x1xi32>
    %eq3A_72 = vector.broadcast %broadcast_in_dim3A_71 : vector<1024x1xi32> to vector<1024x1024xi32>
    %eq3A_73 = arith.cmpi eq, %iota3A, %eq3A_72 : vector<1024x1024xi32>
    %jit3A_74 = arith.constant 0xFF800000 : f32
    %broadcast_in_dim3A_75 = vector.broadcast %jit3A_74 : f32 to vector<1024x1024xf32>
    %select_n3A_76 = arith.select %eq3A_73, %broadcast_in_dim3A_75, %select_n3A_60 : vector<1024x1024xi1>, vector<1024x1024xf32>
    %reduce_max3A_77 = arith.constant dense<0xFF800000> : vector<1024xf32>
    %reduce_max3A_78 = vector.multi_reduction <maximumf>, %select_n3A_76, %reduce_max3A_77 [1] : vector<1024x1024xf32> to vector<1024xf32>
    %broadcast_in_dim3A_79 = vector.shape_cast %reduce_max3A_78 : vector<1024xf32> to vector<1024x1xf32>
    %eq3A_80 = vector.broadcast %broadcast_in_dim3A_79 : vector<1024x1xf32> to vector<1024x1024xf32>
    %eq3A_81 = arith.cmpf oeq, %select_n3A_76, %eq3A_80 : vector<1024x1024xf32>
    %jit3A_82 = arith.constant 1073741824 : i32
    %broadcast_in_dim3A_83 = vector.broadcast %jit3A_82 : i32 to vector<1024x1024xi32>
    %select_n3A_84 = arith.select %eq3A_81, %iota3A, %broadcast_in_dim3A_83 : vector<1024x1024xi1>, vector<1024x1024xi32>
    %reduce_min3A_85 = arith.constant dense<2147483647> : vector<1024xi32>
    %reduce_min3A_86 = vector.multi_reduction <minsi>, %select_n3A_84, %reduce_min3A_85 [1] : vector<1024x1024xi32> to vector<1024xi32>
    %broadcast_in_dim3A_87 = vector.shape_cast %reduce_min3A_86 : vector<1024xi32> to vector<1024x1xi32>
    %eq3A_88 = vector.broadcast %broadcast_in_dim3A_87 : vector<1024x1xi32> to vector<1024x1024xi32>
    %eq3A_89 = arith.cmpi eq, %iota3A, %eq3A_88 : vector<1024x1024xi32>
    %jit3A_90 = arith.constant 0xFF800000 : f32
    %broadcast_in_dim3A_91 = vector.broadcast %jit3A_90 : f32 to vector<1024x1024xf32>
    %select_n3A_92 = arith.select %eq3A_89, %broadcast_in_dim3A_91, %select_n3A_76 : vector<1024x1024xi1>, vector<1024x1024xf32>
    %reduce_max3A_93 = arith.constant dense<0xFF800000> : vector<1024xf32>
    %reduce_max3A_94 = vector.multi_reduction <maximumf>, %select_n3A_92, %reduce_max3A_93 [1] : vector<1024x1024xf32> to vector<1024xf32>
    %broadcast_in_dim3A_95 = vector.shape_cast %reduce_max3A_94 : vector<1024xf32> to vector<1024x1xf32>
    %eq3A_96 = vector.broadcast %broadcast_in_dim3A_95 : vector<1024x1xf32> to vector<1024x1024xf32>
    %eq3A_97 = arith.cmpf oeq, %select_n3A_92, %eq3A_96 : vector<1024x1024xf32>
    %jit3A_98 = arith.constant 1073741824 : i32
    %broadcast_in_dim3A_99 = vector.broadcast %jit3A_98 : i32 to vector<1024x1024xi32>
    %select_n3A_100 = arith.select %eq3A_97, %iota3A, %broadcast_in_dim3A_99 : vector<1024x1024xi1>, vector<1024x1024xi32>
    %reduce_min3A_101 = arith.constant dense<2147483647> : vector<1024xi32>
    %reduce_min3A_102 = vector.multi_reduction <minsi>, %select_n3A_100, %reduce_min3A_101 [1] : vector<1024x1024xi32> to vector<1024xi32>
    %broadcast_in_dim3A_103 = vector.shape_cast %reduce_min3A_102 : vector<1024xi32> to vector<1024x1xi32>
    %eq3A_104 = vector.broadcast %broadcast_in_dim3A_103 : vector<1024x1xi32> to vector<1024x1024xi32>
    %eq3A_105 = arith.cmpi eq, %iota3A, %eq3A_104 : vector<1024x1024xi32>
    %jit3A_106 = arith.constant 0xFF800000 : f32
    %broadcast_in_dim3A_107 = vector.broadcast %jit3A_106 : f32 to vector<1024x1024xf32>
    %select_n3A_108 = arith.select %eq3A_105, %broadcast_in_dim3A_107, %select_n3A_92 : vector<1024x1024xi1>, vector<1024x1024xf32>
    %reduce_max3A_109 = arith.constant dense<0xFF800000> : vector<1024xf32>
    %reduce_max3A_110 = vector.multi_reduction <maximumf>, %select_n3A_108, %reduce_max3A_109 [1] : vector<1024x1024xf32> to vector<1024xf32>
    %broadcast_in_dim3A_111 = vector.shape_cast %reduce_max3A_110 : vector<1024xf32> to vector<1024x1xf32>
    %eq3A_112 = vector.broadcast %broadcast_in_dim3A_111 : vector<1024x1xf32> to vector<1024x1024xf32>
    %eq3A_113 = arith.cmpf oeq, %select_n3A_108, %eq3A_112 : vector<1024x1024xf32>
    %jit3A_114 = arith.constant 1073741824 : i32
    %broadcast_in_dim3A_115 = vector.broadcast %jit3A_114 : i32 to vector<1024x1024xi32>
    %select_n3A_116 = arith.select %eq3A_113, %iota3A, %broadcast_in_dim3A_115 : vector<1024x1024xi1>, vector<1024x1024xi32>
    %reduce_min3A_117 = arith.constant dense<2147483647> : vector<1024xi32>
    %reduce_min3A_118 = vector.multi_reduction <minsi>, %select_n3A_116, %reduce_min3A_117 [1] : vector<1024x1024xi32> to vector<1024xi32>
    %broadcast_in_dim3A_119 = vector.shape_cast %reduce_min3A_118 : vector<1024xi32> to vector<1024x1xi32>
    %eq3A_120 = vector.broadcast %broadcast_in_dim3A_119 : vector<1024x1xi32> to vector<1024x1024xi32>
    %eq3A_121 = arith.cmpi eq, %iota3A, %eq3A_120 : vector<1024x1024xi32>
    %jit3A_122 = arith.constant 0xFF800000 : f32
    %broadcast_in_dim3A_123 = vector.broadcast %jit3A_122 : f32 to vector<1024x1024xf32>
    %select_n3A_124 = arith.select %eq3A_121, %broadcast_in_dim3A_123, %select_n3A_108 : vector<1024x1024xi1>, vector<1024x1024xf32>
    %reduce_max3A_125 = arith.constant dense<0xFF800000> : vector<1024xf32>
    %reduce_max3A_126 = vector.multi_reduction <maximumf>, %select_n3A_124, %reduce_max3A_125 [1] : vector<1024x1024xf32> to vector<1024xf32>
    %broadcast_in_dim3A_127 = vector.shape_cast %reduce_max3A_126 : vector<1024xf32> to vector<1024x1xf32>
    %eq3A_128 = vector.broadcast %broadcast_in_dim3A_127 : vector<1024x1xf32> to vector<1024x1024xf32>
    %eq3A_129 = arith.cmpf oeq, %select_n3A_124, %eq3A_128 : vector<1024x1024xf32>
    %jit3A_130 = arith.constant 1073741824 : i32
    %broadcast_in_dim3A_131 = vector.broadcast %jit3A_130 : i32 to vector<1024x1024xi32>
    %select_n3A_132 = arith.select %eq3A_129, %iota3A, %broadcast_in_dim3A_131 : vector<1024x1024xi1>, vector<1024x1024xi32>
    %reduce_min3A_133 = arith.constant dense<2147483647> : vector<1024xi32>
    %reduce_min3A_134 = vector.multi_reduction <minsi>, %select_n3A_132, %reduce_min3A_133 [1] : vector<1024x1024xi32> to vector<1024xi32>
    %broadcast_in_dim3A_135 = vector.shape_cast %reduce_min3A_134 : vector<1024xi32> to vector<1024x1xi32>
    %eq3A_136 = vector.broadcast %broadcast_in_dim3A_135 : vector<1024x1xi32> to vector<1024x1024xi32>
    %eq3A_137 = arith.cmpi eq, %iota3A, %eq3A_136 : vector<1024x1024xi32>
    %jit3A_138 = arith.constant 0xFF800000 : f32
    %broadcast_in_dim3A_139 = vector.broadcast %jit3A_138 : f32 to vector<1024x1024xf32>
    %select_n3A_140 = arith.select %eq3A_137, %broadcast_in_dim3A_139, %select_n3A_124 : vector<1024x1024xi1>, vector<1024x1024xf32>
    %reduce_max3A_141 = arith.constant dense<0xFF800000> : vector<1024xf32>
    %reduce_max3A_142 = vector.multi_reduction <maximumf>, %select_n3A_140, %reduce_max3A_141 [1] : vector<1024x1024xf32> to vector<1024xf32>
    %broadcast_in_dim3A_143 = vector.shape_cast %reduce_max3A_142 : vector<1024xf32> to vector<1024x1xf32>
    %eq3A_144 = vector.broadcast %broadcast_in_dim3A_143 : vector<1024x1xf32> to vector<1024x1024xf32>
    %eq3A_145 = arith.cmpf oeq, %select_n3A_140, %eq3A_144 : vector<1024x1024xf32>
    %jit3A_146 = arith.constant 1073741824 : i32
    %broadcast_in_dim3A_147 = vector.broadcast %jit3A_146 : i32 to vector<1024x1024xi32>
    %select_n3A_148 = arith.select %eq3A_145, %iota3A, %broadcast_in_dim3A_147 : vector<1024x1024xi1>, vector<1024x1024xi32>
    %reduce_min3A_149 = arith.constant dense<2147483647> : vector<1024xi32>
    %reduce_min3A_150 = vector.multi_reduction <minsi>, %select_n3A_148, %reduce_min3A_149 [1] : vector<1024x1024xi32> to vector<1024xi32>
    %broadcast_in_dim3A_151 = vector.shape_cast %reduce_min3A_150 : vector<1024xi32> to vector<1024x1xi32>
    %eq3A_152 = vector.broadcast %broadcast_in_dim3A_151 : vector<1024x1xi32> to vector<1024x1024xi32>
    %eq3A_153 = arith.cmpi eq, %iota3A, %eq3A_152 : vector<1024x1024xi32>
    %jit3A_154 = arith.constant 0xFF800000 : f32
    %broadcast_in_dim3A_155 = vector.broadcast %jit3A_154 : f32 to vector<1024x1024xf32>
    %select_n3A_156 = arith.select %eq3A_153, %broadcast_in_dim3A_155, %select_n3A_140 : vector<1024x1024xi1>, vector<1024x1024xf32>
    %reduce_max3A_157 = arith.constant dense<0xFF800000> : vector<1024xf32>
    %reduce_max3A_158 = vector.multi_reduction <maximumf>, %select_n3A_156, %reduce_max3A_157 [1] : vector<1024x1024xf32> to vector<1024xf32>
    %broadcast_in_dim3A_159 = vector.shape_cast %reduce_max3A_158 : vector<1024xf32> to vector<1024x1xf32>
    %eq3A_160 = vector.broadcast %broadcast_in_dim3A_159 : vector<1024x1xf32> to vector<1024x1024xf32>
    %eq3A_161 = arith.cmpf oeq, %select_n3A_156, %eq3A_160 : vector<1024x1024xf32>
    %jit3A_162 = arith.constant 1073741824 : i32
    %broadcast_in_dim3A_163 = vector.broadcast %jit3A_162 : i32 to vector<1024x1024xi32>
    %select_n3A_164 = arith.select %eq3A_161, %iota3A, %broadcast_in_dim3A_163 : vector<1024x1024xi1>, vector<1024x1024xi32>
    %reduce_min3A_165 = arith.constant dense<2147483647> : vector<1024xi32>
    %reduce_min3A_166 = vector.multi_reduction <minsi>, %select_n3A_164, %reduce_min3A_165 [1] : vector<1024x1024xi32> to vector<1024xi32>
    %broadcast_in_dim3A_167 = vector.shape_cast %reduce_min3A_166 : vector<1024xi32> to vector<1024x1xi32>
    %eq3A_168 = vector.broadcast %broadcast_in_dim3A_167 : vector<1024x1xi32> to vector<1024x1024xi32>
    %eq3A_169 = arith.cmpi eq, %iota3A, %eq3A_168 : vector<1024x1024xi32>
    %jit3A_170 = arith.constant 0xFF800000 : f32
    %broadcast_in_dim3A_171 = vector.broadcast %jit3A_170 : f32 to vector<1024x1024xf32>
    %select_n3A_172 = arith.select %eq3A_169, %broadcast_in_dim3A_171, %select_n3A_156 : vector<1024x1024xi1>, vector<1024x1024xf32>
    %reduce_max3A_173 = arith.constant dense<0xFF800000> : vector<1024xf32>
    %reduce_max3A_174 = vector.multi_reduction <maximumf>, %select_n3A_172, %reduce_max3A_173 [1] : vector<1024x1024xf32> to vector<1024xf32>
    %broadcast_in_dim3A_175 = vector.shape_cast %reduce_max3A_174 : vector<1024xf32> to vector<1024x1xf32>
    %eq3A_176 = vector.broadcast %broadcast_in_dim3A_175 : vector<1024x1xf32> to vector<1024x1024xf32>
    %eq3A_177 = arith.cmpf oeq, %select_n3A_172, %eq3A_176 : vector<1024x1024xf32>
    %jit3A_178 = arith.constant 1073741824 : i32
    %broadcast_in_dim3A_179 = vector.broadcast %jit3A_178 : i32 to vector<1024x1024xi32>
    %select_n3A_180 = arith.select %eq3A_177, %iota3A, %broadcast_in_dim3A_179 : vector<1024x1024xi1>, vector<1024x1024xi32>
    %reduce_min3A_181 = arith.constant dense<2147483647> : vector<1024xi32>
    %reduce_min3A_182 = vector.multi_reduction <minsi>, %select_n3A_180, %reduce_min3A_181 [1] : vector<1024x1024xi32> to vector<1024xi32>
    %broadcast_in_dim3A_183 = vector.shape_cast %reduce_min3A_182 : vector<1024xi32> to vector<1024x1xi32>
    %eq3A_184 = vector.broadcast %broadcast_in_dim3A_183 : vector<1024x1xi32> to vector<1024x1024xi32>
    %eq3A_185 = arith.cmpi eq, %iota3A, %eq3A_184 : vector<1024x1024xi32>
    %jit3A_186 = arith.constant 0xFF800000 : f32
    %broadcast_in_dim3A_187 = vector.broadcast %jit3A_186 : f32 to vector<1024x1024xf32>
    %select_n3A_188 = arith.select %eq3A_185, %broadcast_in_dim3A_187, %select_n3A_172 : vector<1024x1024xi1>, vector<1024x1024xf32>
    %reduce_max3A_189 = arith.constant dense<0xFF800000> : vector<1024xf32>
    %reduce_max3A_190 = vector.multi_reduction <maximumf>, %select_n3A_188, %reduce_max3A_189 [1] : vector<1024x1024xf32> to vector<1024xf32>
    %broadcast_in_dim3A_191 = vector.shape_cast %reduce_max3A_190 : vector<1024xf32> to vector<1024x1xf32>
    %eq3A_192 = vector.broadcast %broadcast_in_dim3A_191 : vector<1024x1xf32> to vector<1024x1024xf32>
    %eq3A_193 = arith.cmpf oeq, %select_n3A_188, %eq3A_192 : vector<1024x1024xf32>
    %jit3A_194 = arith.constant 1073741824 : i32
    %broadcast_in_dim3A_195 = vector.broadcast %jit3A_194 : i32 to vector<1024x1024xi32>
    %select_n3A_196 = arith.select %eq3A_193, %iota3A, %broadcast_in_dim3A_195 : vector<1024x1024xi1>, vector<1024x1024xi32>
    %reduce_min3A_197 = arith.constant dense<2147483647> : vector<1024xi32>
    %reduce_min3A_198 = vector.multi_reduction <minsi>, %select_n3A_196, %reduce_min3A_197 [1] : vector<1024x1024xi32> to vector<1024xi32>
    %broadcast_in_dim3A_199 = vector.shape_cast %reduce_min3A_198 : vector<1024xi32> to vector<1024x1xi32>
    %eq3A_200 = vector.broadcast %broadcast_in_dim3A_199 : vector<1024x1xi32> to vector<1024x1024xi32>
    %eq3A_201 = arith.cmpi eq, %iota3A, %eq3A_200 : vector<1024x1024xi32>
    %jit3A_202 = arith.constant 0xFF800000 : f32
    %broadcast_in_dim3A_203 = vector.broadcast %jit3A_202 : f32 to vector<1024x1024xf32>
    %select_n3A_204 = arith.select %eq3A_201, %broadcast_in_dim3A_203, %select_n3A_188 : vector<1024x1024xi1>, vector<1024x1024xf32>
    %eq3A_205 = arith.constant 0xFF800000 : f32
    %eq3A_206 = vector.broadcast %eq3A_205 : f32 to vector<1024x1024xf32>
    %eq3A_207 = arith.cmpf oeq, %select_n3A_204, %eq3A_206 : vector<1024x1024xf32>
    %jit3A_208 = arith.constant 0.000000e+00 : f32
    %broadcast_in_dim3A_209 = vector.broadcast %jit3A_208 : f32 to vector<1024x1024xf32>
    %select_n3A_210 = arith.select %eq3A_207, %dot_general3A_46, %broadcast_in_dim3A_209 : vector<1024x1024xi1>, vector<1024x1024xf32>
    %transpose3A = tpu.transpose %select_n3A_210, [1, 0] : vector<1024x1024xf32> -> vector<1024x1024xf32>
    %add3A_211 = arith.addf %select_n3A_210, %transpose3A : vector<1024x1024xf32>
    %mul3A_212 = arith.constant 5.000000e-01 : f32
    %mul3A_213 = vector.broadcast %mul3A_212 : f32 to vector<1024x1024xf32>
    %mul3A_214 = arith.mulf %mul3A_213, %add3A_211 : vector<1024x1024xf32>
    %reduce_sum3A_215 = arith.constant dense<0.000000e+00> : vector<1024xf32>
    %reduce_sum3A_216 = vector.multi_reduction <add>, %mul3A_214, %reduce_sum3A_215 [1] : vector<1024x1024xf32> to vector<1024xf32>
    %broadcast_in_dim3A_217 = vector.shape_cast %reduce_sum3A_216 : vector<1024xf32> to vector<1024x1xf32>
    %reduce_sum3A_218 = arith.constant dense<0.000000e+00> : vector<1024xf32>
    %reduce_sum3A_219 = vector.multi_reduction <add>, %mul3A_214, %reduce_sum3A_218 [0] : vector<1024x1024xf32> to vector<1024xf32>
    %broadcast_in_dim3A_220 = vector.shape_cast %reduce_sum3A_219 : vector<1024xf32> to vector<1x1024xf32>
    %le3A = arith.constant 0.000000e+00 : f32
    %le3A_221 = vector.broadcast %le3A : f32 to vector<1024x1xf32>
    %le3A_222 = arith.cmpf ole, %broadcast_in_dim3A_217, %le3A_221 : vector<1024x1xf32>
    %jit3A_223 = arith.constant 1.000000e+00 : f32
    %broadcast_in_dim3A_224 = vector.broadcast %jit3A_223 : f32 to vector<1024x1xf32>
    %select_n3A_225 = arith.select %le3A_222, %broadcast_in_dim3A_224, %broadcast_in_dim3A_217 : vector<1024x1xi1>, vector<1024x1xf32>
    %le3A_226 = arith.constant 0.000000e+00 : f32
    %le3A_227 = vector.broadcast %le3A_226 : f32 to vector<1x1024xf32>
    %le3A_228 = arith.cmpf ole, %broadcast_in_dim3A_220, %le3A_227 : vector<1x1024xf32>
    %jit3A_229 = arith.constant 1.000000e+00 : f32
    %broadcast_in_dim3A_230 = vector.broadcast %jit3A_229 : f32 to vector<1x1024xf32>
    %select_n3A_231 = arith.select %le3A_228, %broadcast_in_dim3A_230, %broadcast_in_dim3A_220 : vector<1x1024xi1>, vector<1x1024xf32>
    %sqrt3A_232 = math.sqrt %select_n3A_231 : vector<1x1024xf32>
    %div3A_233 = vector.broadcast %sqrt3A_232 : vector<1x1024xf32> to vector<1024x1024xf32>
    %div3A_234 = arith.divf %mul3A_214, %div3A_233 : vector<1024x1024xf32>
    %sqrt3A_235 = math.sqrt %select_n3A_225 : vector<1024x1xf32>
    %div3A_236 = vector.broadcast %sqrt3A_235 : vector<1024x1xf32> to vector<1024x1024xf32>
    %div3A_237 = arith.divf %div3A_234, %div3A_236 : vector<1024x1024xf32>
    %get3A_238 = arith.constant 0 : index
    %get3A_239 = arith.constant 0 : index
    %get3A_240 = vector.load %arg4[%get3A_238, %get3A_239] : memref<128x128xf32, #tpu.memory_space<vmem>>, vector<128x128xf32>
    %dot_general3A_241 = arith.constant dense<0.000000e+00> : vector<1024x128xf32>
    %dot_general3A_242 = tpu.matmul %get3A_4, %get3A_240, %dot_general3A_241 {dimension_numbers = #tpu.dot_dimension_numbers<[1], [0], [0], [1], [0, 0, 1, 1], [], []>, transpose_lhs_hint = false} : vector<1024x128xf32>, vector<128x128xf32>, vector<1024x128xf32> -> vector<1024x128xf32>
    %dot_general3A_243 = arith.constant dense<0.000000e+00> : vector<1024x128xf32>
    %dot_general3A_244 = tpu.matmul %div3A_237, %dot_general3A_242, %dot_general3A_243 {dimension_numbers = #tpu.dot_dimension_numbers<[1], [0], [0], [1], [0, 0, 1, 1], [], []>, transpose_lhs_hint = false} : vector<1024x1024xf32>, vector<1024x128xf32>, vector<1024x128xf32> -> vector<1024x128xf32>
    %max3A_245 = arith.constant 0.000000e+00 : f32
    %max3A_246 = vector.broadcast %max3A_245 : f32 to vector<1024x128xf32>
    %max3A_247 = arith.maximumf %dot_general3A_244, %max3A_246 : vector<1024x128xf32>
    %get3A_248 = arith.constant 0 : index
    %get3A_249 = arith.constant 0 : index
    %get3A_250 = vector.load %arg5[%get3A_248, %get3A_249] : memref<128x128xf32, #tpu.memory_space<vmem>>, vector<128x128xf32>
    %dot_general3A_251 = arith.constant dense<0.000000e+00> : vector<1024x128xf32>
    %dot_general3A_252 = tpu.matmul %max3A_247, %get3A_250, %dot_general3A_251 {dimension_numbers = #tpu.dot_dimension_numbers<[1], [0], [0], [1], [0, 0, 1, 1], [], []>, transpose_lhs_hint = false} : vector<1024x128xf32>, vector<128x128xf32>, vector<1024x128xf32> -> vector<1024x128xf32>
    %dot_general3A_253 = arith.constant dense<0.000000e+00> : vector<1024x128xf32>
    %dot_general3A_254 = tpu.matmul %div3A_237, %dot_general3A_252, %dot_general3A_253 {dimension_numbers = #tpu.dot_dimension_numbers<[1], [0], [0], [1], [0, 0, 1, 1], [], []>, transpose_lhs_hint = false} : vector<1024x1024xf32>, vector<1024x128xf32>, vector<1024x128xf32> -> vector<1024x128xf32>
    %get3A_255 = arith.constant 0 : index
    %get3A_256 = arith.constant 0 : index
    %get3A_257 = vector.load %arg6[%get3A_255, %get3A_256] : memref<256x128xf32, #tpu.memory_space<vmem>>, vector<128x128xf32>
    %dot_general3A_258 = arith.constant dense<0.000000e+00> : vector<1024x128xf32>
    %dot_general3A_259 = tpu.matmul %dot_general3A_36, %get3A_257, %dot_general3A_258 {dimension_numbers = #tpu.dot_dimension_numbers<[1], [0], [0], [1], [0, 0, 1, 1], [], []>, transpose_lhs_hint = false} : vector<1024x128xf32>, vector<128x128xf32>, vector<1024x128xf32> -> vector<1024x128xf32>
    %get3A_260 = arith.constant 128 : index
    %get3A_261 = arith.constant 0 : index
    %get3A_262 = vector.load %arg6[%get3A_260, %get3A_261] : memref<256x128xf32, #tpu.memory_space<vmem>>, vector<128x128xf32>
    %dot_general3A_263 = arith.constant dense<0.000000e+00> : vector<1024x128xf32>
    %dot_general3A_264 = tpu.matmul %dot_general3A_254, %get3A_262, %dot_general3A_263 {dimension_numbers = #tpu.dot_dimension_numbers<[1], [0], [0], [1], [0, 0, 1, 1], [], []>, transpose_lhs_hint = false} : vector<1024x128xf32>, vector<128x128xf32>, vector<1024x128xf32> -> vector<1024x128xf32>
    %add3A_265 = arith.addf %dot_general3A_259, %dot_general3A_264 : vector<1024x128xf32>
    %get3A_266 = arith.constant 0 : index
    %get3A_267 = arith.constant 0 : index
    %get3A_268 = vector.load %arg7[%get3A_266, %get3A_267] : memref<1x128xf32, #tpu.memory_space<vmem>>, vector<1x128xf32>
    %add3A_269 = vector.broadcast %get3A_268 : vector<1x128xf32> to vector<1024x128xf32>
    %add3A_270 = arith.addf %add3A_265, %add3A_269 : vector<1024x128xf32>
    %max3A_271 = arith.constant 0.000000e+00 : f32
    %max3A_272 = vector.broadcast %max3A_271 : f32 to vector<1024x128xf32>
    %max3A_273 = arith.maximumf %add3A_270, %max3A_272 : vector<1024x128xf32>
    %get3A_274 = arith.constant 0 : index
    %get3A_275 = arith.constant 0 : index
    %get3A_276 = vector.load %arg8[%get3A_274, %get3A_275] : memref<128x128xf32, #tpu.memory_space<vmem>>, vector<128x128xf32>
    %dot_general3A_277 = arith.constant dense<0.000000e+00> : vector<1024x128xf32>
    %dot_general3A_278 = tpu.matmul %max3A_273, %get3A_276, %dot_general3A_277 {dimension_numbers = #tpu.dot_dimension_numbers<[1], [0], [0], [1], [0, 0, 1, 1], [], []>, transpose_lhs_hint = false} : vector<1024x128xf32>, vector<128x128xf32>, vector<1024x128xf32> -> vector<1024x128xf32>
    %get3A_279 = arith.constant 0 : index
    %get3A_280 = arith.constant 0 : index
    %get3A_281 = vector.load %arg9[%get3A_279, %get3A_280] : memref<1x128xf32, #tpu.memory_space<vmem>>, vector<1x128xf32>
    %add3A_282 = vector.broadcast %get3A_281 : vector<1x128xf32> to vector<1024x128xf32>
    %add3A_283 = arith.addf %dot_general3A_278, %add3A_282 : vector<1024x128xf32>
    %swap3A = arith.constant 0 : index
    %swap3A_284 = arith.constant 0 : index
    %swap3A_285 = vector.load %arg10[%swap3A, %swap3A_284] : memref<1024x128xf32, #tpu.memory_space<vmem>>, vector<1024x128xf32>
    tpu.vector_store %arg10[%swap3A, %swap3A_284], %add3A_283 {strides = array<i32>} : memref<1024x128xf32, #tpu.memory_space<vmem>>, vector<1024x128xf32>,
    return
  }
}

module attributes {stable_mosaic.version = 14 : i64} {
  func.func @_item_body(%arg0: memref<1024x2048xf32, #tpu.memory_space<vmem>>, %arg1: memref<2048x128xf32, #tpu.memory_space<vmem>>, %arg2: memref<128x128xf32, #tpu.memory_space<vmem>>, %arg3: memref<128x128xf32, #tpu.memory_space<vmem>>, %arg4: memref<128x128xf32, #tpu.memory_space<vmem>>, %arg5: memref<1x128xf32, #tpu.memory_space<vmem>>, %arg6: memref<128x128xf32, #tpu.memory_space<vmem>>, %arg7: memref<1x128xf32, #tpu.memory_space<vmem>>, %arg8: memref<2048x128xf32, #tpu.memory_space<vmem>>) attributes {dimension_semantics = [], scalar_prefetch = 0 : i64, scratch_operands = 0 : i64, tpu.core_type = #tpu.core_type<tc>} {
    %get3A = arith.constant 0 : index
    %get3A_0 = arith.constant 0 : index
    %get3A_1 = vector.load %arg0[%get3A, %get3A_0] : memref<1024x2048xf32, #tpu.memory_space<vmem>>, vector<1024x2048xf32>
    %reduce_sum3A = arith.constant dense<0.000000e+00> : vector<1024xf32>
    %reduce_sum3A_2 = vector.multi_reduction <add>, %get3A_1, %reduce_sum3A [1] : vector<1024x2048xf32> to vector<1024xf32>
    %broadcast_in_dim3A = vector.shape_cast %reduce_sum3A_2 : vector<1024xf32> to vector<1024x1xf32>
    %reduce_sum3A_3 = arith.constant dense<0.000000e+00> : vector<2048xf32>
    %reduce_sum3A_4 = vector.multi_reduction <add>, %get3A_1, %reduce_sum3A_3 [0] : vector<1024x2048xf32> to vector<2048xf32>
    %broadcast_in_dim3A_5 = vector.shape_cast %reduce_sum3A_4 : vector<2048xf32> to vector<1x2048xf32>
    %eq3A = arith.constant 0.000000e+00 : f32
    %eq3A_6 = vector.broadcast %eq3A : f32 to vector<1024x1xf32>
    %eq3A_7 = arith.cmpf oeq, %broadcast_in_dim3A, %eq3A_6 : vector<1024x1xf32>
    %jit3A = arith.constant 1.000000e+00 : f32
    %broadcast_in_dim3A_8 = vector.broadcast %jit3A : f32 to vector<1024x1xf32>
    %select_n3A = arith.select %eq3A_7, %broadcast_in_dim3A_8, %broadcast_in_dim3A : vector<1024x1xi1>, vector<1024x1xf32>
    %eq3A_9 = arith.constant 0.000000e+00 : f32
    %eq3A_10 = vector.broadcast %eq3A_9 : f32 to vector<1x2048xf32>
    %eq3A_11 = arith.cmpf oeq, %broadcast_in_dim3A_5, %eq3A_10 : vector<1x2048xf32>
    %jit3A_12 = arith.constant 1.000000e+00 : f32
    %broadcast_in_dim3A_13 = vector.broadcast %jit3A_12 : f32 to vector<1x2048xf32>
    %select_n3A_14 = arith.select %eq3A_11, %broadcast_in_dim3A_13, %broadcast_in_dim3A_5 : vector<1x2048xi1>, vector<1x2048xf32>
    %sqrt3A = math.sqrt %select_n3A_14 : vector<1x2048xf32>
    %div3A = vector.broadcast %sqrt3A : vector<1x2048xf32> to vector<1024x2048xf32>
    %div3A_15 = arith.divf %get3A_1, %div3A : vector<1024x2048xf32>
    %sqrt3A_16 = math.sqrt %select_n3A : vector<1024x1xf32>
    %div3A_17 = vector.broadcast %sqrt3A_16 : vector<1024x1xf32> to vector<1024x2048xf32>
    %div3A_18 = arith.divf %div3A_15, %div3A_17 : vector<1024x2048xf32>
    %get3A_19 = arith.constant 0 : index
    %get3A_20 = arith.constant 0 : index
    %get3A_21 = vector.load %arg1[%get3A_19, %get3A_20] : memref<2048x128xf32, #tpu.memory_space<vmem>>, vector<2048x128xf32>
    %get3A_22 = arith.constant 0 : index
    %get3A_23 = arith.constant 0 : index
    %get3A_24 = vector.load %arg2[%get3A_22, %get3A_23] : memref<128x128xf32, #tpu.memory_space<vmem>>, vector<128x128xf32>
    %dot_general3A = arith.constant dense<0.000000e+00> : vector<2048x128xf32>
    %dot_general3A_25 = tpu.matmul %get3A_21, %get3A_24, %dot_general3A {dimension_numbers = #tpu.dot_dimension_numbers<[1], [0], [0], [1], [0, 0, 1, 1], [], []>, transpose_lhs_hint = false} : vector<2048x128xf32>, vector<128x128xf32>, vector<2048x128xf32> -> vector<2048x128xf32>
    %dot_general3A_26 = arith.constant dense<0.000000e+00> : vector<1024x128xf32>
    %dot_general3A_27 = tpu.matmul %div3A_18, %dot_general3A_25, %dot_general3A_26 {dimension_numbers = #tpu.dot_dimension_numbers<[1], [0], [0], [1], [0, 0, 1, 1], [], []>, transpose_lhs_hint = false} : vector<1024x2048xf32>, vector<2048x128xf32>, vector<1024x128xf32> -> vector<1024x128xf32>
    %max3A = arith.constant 0.000000e+00 : f32
    %max3A_28 = vector.broadcast %max3A : f32 to vector<1024x128xf32>
    %max3A_29 = arith.maximumf %dot_general3A_27, %max3A_28 : vector<1024x128xf32>
    %get3A_30 = arith.constant 0 : index
    %get3A_31 = arith.constant 0 : index
    %get3A_32 = vector.load %arg3[%get3A_30, %get3A_31] : memref<128x128xf32, #tpu.memory_space<vmem>>, vector<128x128xf32>
    %dot_general3A_33 = arith.constant dense<0.000000e+00> : vector<1024x128xf32>
    %dot_general3A_34 = tpu.matmul %max3A_29, %get3A_32, %dot_general3A_33 {dimension_numbers = #tpu.dot_dimension_numbers<[1], [0], [0], [1], [0, 0, 1, 1], [], []>, transpose_lhs_hint = false} : vector<1024x128xf32>, vector<128x128xf32>, vector<1024x128xf32> -> vector<1024x128xf32>
    %dot_general3A_35 = arith.constant dense<0.000000e+00> : vector<2048x128xf32>
    %dot_general3A_36 = tpu.matmul %div3A_18, %dot_general3A_34, %dot_general3A_35 {dimension_numbers = #tpu.dot_dimension_numbers<[0], [0], [1], [1], [0, 1, 1, 1], [], []>, transpose_lhs_hint = false} : vector<1024x2048xf32>, vector<1024x128xf32>, vector<2048x128xf32> -> vector<2048x128xf32>
    %get3A_37 = arith.constant 0 : index
    %get3A_38 = arith.constant 0 : index
    %get3A_39 = vector.load %arg4[%get3A_37, %get3A_38] : memref<128x128xf32, #tpu.memory_space<vmem>>, vector<128x128xf32>
    %dot_general3A_40 = arith.constant dense<0.000000e+00> : vector<2048x128xf32>
    %dot_general3A_41 = tpu.matmul %dot_general3A_36, %get3A_39, %dot_general3A_40 {dimension_numbers = #tpu.dot_dimension_numbers<[1], [0], [0], [1], [0, 0, 1, 1], [], []>, transpose_lhs_hint = false} : vector<2048x128xf32>, vector<128x128xf32>, vector<2048x128xf32> -> vector<2048x128xf32>
    %get3A_42 = arith.constant 0 : index
    %get3A_43 = arith.constant 0 : index
    %get3A_44 = vector.load %arg5[%get3A_42, %get3A_43] : memref<1x128xf32, #tpu.memory_space<vmem>>, vector<1x128xf32>
    %add3A = vector.broadcast %get3A_44 : vector<1x128xf32> to vector<2048x128xf32>
    %add3A_45 = arith.addf %dot_general3A_41, %add3A : vector<2048x128xf32>
    %max3A_46 = arith.constant 0.000000e+00 : f32
    %max3A_47 = vector.broadcast %max3A_46 : f32 to vector<2048x128xf32>
    %max3A_48 = arith.maximumf %add3A_45, %max3A_47 : vector<2048x128xf32>
    %get3A_49 = arith.constant 0 : index
    %get3A_50 = arith.constant 0 : index
    %get3A_51 = vector.load %arg6[%get3A_49, %get3A_50] : memref<128x128xf32, #tpu.memory_space<vmem>>, vector<128x128xf32>
    %dot_general3A_52 = arith.constant dense<0.000000e+00> : vector<2048x128xf32>
    %dot_general3A_53 = tpu.matmul %max3A_48, %get3A_51, %dot_general3A_52 {dimension_numbers = #tpu.dot_dimension_numbers<[1], [0], [0], [1], [0, 0, 1, 1], [], []>, transpose_lhs_hint = false} : vector<2048x128xf32>, vector<128x128xf32>, vector<2048x128xf32> -> vector<2048x128xf32>
    %get3A_54 = arith.constant 0 : index
    %get3A_55 = arith.constant 0 : index
    %get3A_56 = vector.load %arg7[%get3A_54, %get3A_55] : memref<1x128xf32, #tpu.memory_space<vmem>>, vector<1x128xf32>
    %add3A_57 = vector.broadcast %get3A_56 : vector<1x128xf32> to vector<2048x128xf32>
    %add3A_58 = arith.addf %dot_general3A_53, %add3A_57 : vector<2048x128xf32>
    %swap3A = arith.constant 0 : index
    %swap3A_59 = arith.constant 0 : index
    %swap3A_60 = vector.load %arg8[%swap3A, %swap3A_59] : memref<2048x128xf32, #tpu.memory_space<vmem>>, vector<2048x128xf32>
    tpu.vector_store %arg8[%swap3A, %swap3A_59], %add3A_58 {strides = array<i32>} : memref<2048x128xf32, #tpu.memory_space<vmem>>, vector<2048x128xf32>,
    return
  }
}

</mosaic_0001>

<sc_bundles>
// kernel: kernel.5.cloned.1.call-start
scs
__scs_entry_jumppad:
0x0: {  	(pc) =	sbr.rel $0x88, $3  }
0x1: {  	(tag) =	ssettag $0x0;
	lr =	simm.s32 $0x1  }
0x2: {  	[smem:$0x3F8E] =	sst lr;
	_ =	strace $0xD0000000  }
0x3: {  	_ = 	snop  }
0x4: {  	_ = 	snop  }
0x5: {  	_ = 	snop  }
0x6: {  	_ = 	snop  }
0x7: {  	_ = 	snop  }
__scs_overlays_trampoline_lowered:
0x8: {  	[smem:$0x3F9D] =	sst s0  }
0x9: {  	[smem:$0x3F9E] =	sst s1  }
0xa: {  	[smem:$0x3F9F] =	sst s2  }
0xb: {  	[smem:$0x3FA0] =	sst s3  }
0xc: {  	[smem:$0x3FA1] =	sst s4  }
0xd: {  	[smem:$0x3FA2] =	sst s5  }
0xe: {  	[smem:$0x3FA3] =	sst s6  }
0xf: {  	[smem:$0x3FA4] =	sst s7  }
0x10: {  	[smem:$0x3FA5] =	sst s8  }
0x11: {  	[smem:$0x3FA6] =	sst s9;
	s0 =	simm.s32 @!p0 $0x0  }
0x12: {  	s1 =	sld [smem:$0x3F8C];
	s0 =	simm.s32 @p0 $0x1  }
0x13: {  	[smem:$0x3FA7] =	sst s0;
	s0 =	simm.s32 @!p1 $0x0  }
0x14: {  	s2 =	sld [smem:$0x3F8B];
	s0 =	simm.s32 @p1 $0x1  }
0x15: {  	[smem:$0x3FA8] =	sst s0;
	s0 =	simm.s32 @!p2 $0x0  }
0x16: {  	s3 =	sld [smem:$0x3FDB];
	s0 =	simm.s32 @p2 $0x1  }
0x17: {  	s4 =	simm.s32 $0x1BF5;
	[smem:$0x3FAA] =	sst s0  }
0x18: {  	s0 =	sld [smem:$0x3F8D];
	_ =	swait.ge [sflag:s4], $0x0  }
0x19: {  	s7 =	sld [smem:$0x3F8E]  }
0x1a: {  	s8 =	sadd.s32 $0xFFFFE003, lr  }
0x1b: {  	s9 =	sadd.s32 $0xFFFFFEF7, lr;
	s5 =	simm.s32 $0xFFFFFFFF;
	p2 =	slt.u32 s8, $0xFFFFF086  }
0x1c: {  	p1 =	slt.u32 s9, $0xF7A;
	s5 =	simm.s32 @!p2 $0x0  }
0x1d: {  	s5 =	simm.s32 @p1 $0x1;
	p0 =	seq.s32 s7, s2  }
0x1e: {  	s7 =	smul.u32 @!p0 $0xF7A, s2;
	p2 =	seq.s32 @!p0 s5, $0x0  }
0x1f: {  	s9 =	smul.u32 $0xF7A, s1;
	s8 =	simm.s32 @!p0 $0x1BF5;
	p2 =	por !p2, p0  }
0x20: {  	[sflag:s8] =	ssyncset.s32 @!p0 $0xFFFFF086;
	s6 =	sadd.s32 @!p0 s3, s7;
	s7 =	simm.s32 @!p0 $0x108  }
0x21: {  	s3 =	sadd.s32 s3, s9;
	s6 =	sadd.s32 @!p0 $0x88, s6;
	s7 =	simm.s32 @p2 $0x1082  }
0x22: {  	[simem:s7], [sflag:s8] =	dma.local @!p0 [hbm:s6], $0xF7A  }
0x23: {  	s9 =	sor.u32 $0xD0000000, s2;
	s6 =	simm.s32 $0x108;
	_ =	swait.ge @!p0 [sflag:s8], $0x0  }
0x24: {  	s3 =	sadd.s32 $0x88, s3;
	s6 =	simm.s32 @!p1 $0x1082;
	[sflag:s4] =	ssyncset.s32 $0xFFFFF086  }
0x25: {  	[simem:s6], [sflag:s4] =	dma.local [hbm:s3], $0xF7A  }
0x26: {  	[smem:$0x3F8E] =	sst s1;
	(tag) =	ssettag s2;
	_ =	strace s9  }
0x27: {  	s1 =	sld [smem:$0x3F9E]  }
0x28: {  	s2 =	sld [smem:$0x3F9F]  }
0x29: {  	s4 =	sld [smem:$0x3FA1]  }
0x2a: {  	p0 =	seq.s32 s5, $0x0;
	s5 =	sld [smem:$0x3FA2]  }
0x2b: {  	s6 =	sld [smem:$0x3FA3]  }
0x2c: {  	s7 =	sld [smem:$0x3FA4]  }
0x2d: {  	s3 =	simm.s32 $0x108;
	s8 =	sld [smem:$0x3FA5]  }
0x2e: {  	s3 =	simm.s32 @!p0 $0x1082;
	s9 =	sld [smem:$0x3FA6]  }
0x2f: {  	lr =	sadd.s32 s0, s3;
	s0 =	sld [smem:$0x3F9D]  }
0x30: {  	s3 =	sld [smem:$0x3FA0]  }
0x31: {  	[smem:$0x3FA9] =	sst s10  }
0x32: {  	s10 =	sld [smem:$0x3FA7];
	_ =	sdelay $0x3  }
0x33: {  	p0 =	seq.s32 s10, $0x1;
	s10 =	sld [smem:$0x3FA9];
	_ =	sdelay $0x3  }
0x34: {  	[smem:$0x3FA9] =	sst s10  }
0x35: {  	s10 =	sld [smem:$0x3FA8];
	_ =	sdelay $0x3  }
0x36: {  	p1 =	seq.s32 s10, $0x1;
	s10 =	sld [smem:$0x3FA9];
	_ =	sdelay $0x3  }
0x37: {  	[smem:$0x3FA9] =	sst s10  }
0x38: {  	s10 =	sld [smem:$0x3FAA]  }
0x39: {  	_ = 	snop;
	(pc) =	sbr.ind lr, $3  }
0x3a: {  	_ = 	snop  }
0x3b: {  	_ = 	snop  }
0x3c: {  	p2 =	seq.s32 s10, $0x1;
	s10 =	sld [smem:$0x3FA9]  }
0x3d: {  	_ =	shalt  }
0x3e: {  	_ =	shalt  }
0x3f: {  	_ =	shalt  }
0x40: {  	_ =	shalt  }
0x41: {  	_ =	shalt  }
0x42: {  	_ =	shalt  }
0x43: {  	_ =	shalt  }
0x44: {  	_ =	shalt  }
0x45: {  	_ =	shalt  }
0x46: {  	_ =	shalt  }
0x47: {  	_ =	shalt  }
0x48: {  	_ =	shalt  }
0x49: {  	_ =	shalt  }
0x4a: {  	_ =	shalt  }
0x4b: {  	_ =	shalt  }
0x4c: {  	_ =	shalt  }
0x4d: {  	_ =	shalt  }
0x4e: {  	_ =	shalt  }
0x4f: {  	_ =	shalt  }
0x50: {  	_ =	shalt  }
0x51: {  	_ =	shalt  }
0x52: {  	_ =	shalt  }
0x53: {  	_ =	shalt  }
0x54: {  	_ =	shalt  }
0x55: {  	_ =	shalt  }
0x56: {  	_ =	shalt  }
0x57: {  	_ =	shalt  }
0x58: {  	_ =	shalt  }
0x59: {  	_ =	shalt  }
0x5a: {  	_ =	shalt  }
0x5b: {  	_ =	shalt  }
0x5c: {  	_ =	shalt  }
0x5d: {  	_ =	shalt  }
0x5e: {  	_ =	shalt  }
0x5f: {  	_ =	shalt  }
0x60: {  	_ =	shalt  }
0x61: {  	_ =	shalt  }
0x62: {  	_ =	shalt  }
0x63: {  	_ =	shalt  }
0x64: {  	_ =	shalt  }
0x65: {  	_ =	shalt  }
0x66: {  	_ =	shalt  }
0x67: {  	_ =	shalt  }
0x68: {  	_ =	shalt  }
0x69: {  	_ =	shalt  }
0x6a: {  	_ =	shalt  }
0x6b: {  	_ =	shalt  }
0x6c: {  	_ =	shalt  }
0x6d: {  	_ =	shalt  }
0x6e: {  	_ =	shalt  }
0x6f: {  	_ =	shalt  }
0x70: {  	_ =	shalt  }
0x71: {  	_ =	shalt  }
0x72: {  	_ =	shalt  }
0x73: {  	_ =	shalt  }
0x74: {  	_ =	shalt  }
0x75: {  	_ =	shalt  }
0x76: {  	_ =	shalt  }
0x77: {  	_ =	shalt  }
0x78: {  	_ =	shalt  }
0x79: {  	_ =	shalt  }
0x7a: {  	_ =	shalt  }
0x7b: {  	_ =	shalt  }
0x7c: {  	_ =	shalt  }
0x7d: {  	_ =	shalt  }
0x7e: {  	_ =	shalt  }
0x7f: {  	_ =	shalt  }
0x80: {  	_ =	shalt  }
0x81: {  	_ =	shalt  }
0x82: {  	_ =	shalt  }
0x83: {  	_ =	shalt  }
0x84: {  	_ =	shalt  }
0x85: {  	_ =	shalt  }
0x86: {  	_ =	shalt  }
0x87: {  	_ =	shalt  }
.Lfunc_end0:
.L_simem_size_0:
called_computation_lowered:
.L_overlay_start_0:
0x88: {  	s2 =	sld [smem:$0x3FD9]  }
0x89: {  	s3 =	sld [smem:$0x3FFE];
	_ =	sdelay $0x1  }
0x8a: {  	s1 =	srdreg.scid  }
0x8b: {  	s0 =	sand.u32 $0x1, s1  }
0x8c: {  	s15 =	sshll.u32 s0, $0xA;
	s2 =	sadd.s32 s3, s2  }
0x8d: {  	s2 =	sadd.s32 s2, s15  }
0x8e: {  	[smem:$0x3FB5] =	sst s2  }
0x8f: {  	_ = 	snop  }
0x90: {  	s2 =	sld [smem:$0x3FD0];
	_ =	sdelay $0x1  }
0x91: {  	s16 =	sld [smem:$0x3FC9]  }
0x92: {  	s5 =	simm.s32 $0xA;
	s6 =	simm.s32 $0x10;
	s4 =	sld [smem:$0x3FC6]  }
0x93: {  	[smem:s6], [sflag:s5] =	dma.local [hbm:s2], $0x1  }
0x94: {  	_ =	swait.eq [sflag:s5], $0x1  }
0x95: {  	[sflag:s5] =	ssyncset.done $0x0  }
0x96: {  	[sflag:s5] =	ssyncadd.s32 $0xFFFFFFFF  }
0x97: {  	s17 =	sld [smem:$0x10];
	(tm) =	ssettm $0x1  }
0x98: {  	s18 =	sld [smem:$0x3FFB];
	_ =	sdelay $0x3  }
0x99: {  	_ =	strace s18  }
0x9a: {  	s5 =	sld [smem:$0x3FFC];
	_ =	sdelay $0x3  }
0x9b: {  	_ =	strace s5  }
0x9c: {  	s5 =	sld [smem:$0x3FFD];
	_ =	sdelay $0x3  }
0x9d: {  	_ =	strace s5  }
0x9e: {  	_ =	strace $0x8FFFFFFF  }
0x9f: {  	s19 =	sld [smem:$0x3FDB];
	_ =	sdelay $0x1  }
0xa0: {  	s20 =	simm.s32 $_scs_section_size  }
0xa1: {  	s7 =	simm.s32 $_size__tile_overlayer_lowered;
	s8 =	simm.s32 $_tile_overlayer_lowered  }
0xa2: {  	s23 =	simm.s32 $0x1BFF;
	s22 =	sshll.u32 s8, $0x1;
	s5 =	sadd.s32 s20, s19  }
0xa3: {  	s9 =	simm.s32 $0x0;
	s21 =	sshll.u32 s7, $0x1;
	s7 =	sadd.s32 s22, s5  }
0xa4: {  	[timem:s9], [sflag:s23] =	dma.local [hbm:s7], s21  }
0xa5: {  	_ =	swait.ge [sflag:s23], s21  }
0xa6: {  	s6 =	ssub.s32 $0x0, s21;
	[sflag:s23] =	ssyncset.done $0x0  }
0xa7: {  	[sflag:s23] =	ssyncadd.s32 s6;
	_ =	sdelay $0x1  }
0xa8: {  	s24 =	simm.s32 $0x1B8B  }
0xa9: {  	_ =	swait.ge [sflag:s24], $0x1  }
0xaa: {  	[sflag:s24] =	ssyncset.done $0x0  }
0xab: {  	s25 =	simm.s32 $0x1B8E;
	[sflag:s24] =	ssyncadd.s32 $0xFFFFFFFF  }
0xac: {  	s26 =	simm.s32 $execute0_lowered;
	[smem:$0x3FD2] =	sst s25  }
0xad: {  	s6 =	sshll.u32 s26, $0x1;
	_ =	strace $0x80000046;
	[dreg:$0x1] =	wrdreg $0xFFFFFFFF  }
0xae: {  	s28 =	simm.s32 $_size_execute0_lowered;
	s5 =	sadd.s32 s5, s6;
	[dreg:$0x0] =	wrdreg $0x0  }
0xaf: {  	s6 =	sshll.u32 s28, $0x1;
	[dreg:$0x2] =	wrdreg s5  }
0xb0: {  	[dreg:$0x3] =	wrdreg s6  }
0xb1: {  	[dreg:$0x4] =	wrdreg $0xC0  }
0xb2: {  	_ =	task [dreg:s9], $0x5FFFF  }
0xb3: {  	[dreg:$0x1] =	wrdreg $0xFFFFFFFF  }
0xb4: {  	[dreg:$0x0] =	wrdreg $0x60  }
0xb5: {  	[dreg:$0x2] =	wrdreg s4  }
0xb6: {  	[dreg:$0x3] =	wrdreg s16  }
0xb7: {  	[dreg:$0x4] =	wrdreg s17  }
0xb8: {  	[dreg:$0x5] =	wrdreg $0x9  }
0xb9: {  	_ =	task.clear_ibuf [dreg:s9], $0x6FFFF;
	_ =	strace $0x90000046  }
0xba: {  	s29 =	simm.s32 $0x9;
	_ =	strace $0x80000048  }
0xbb: {  	_ =	swait.ge [sflag:s29], $0x1  }
0xbc: {  	[sflag:s29] =	ssyncadd.s32 $0xFFFFFFFF  }
0xbd: {  	_ =	strace $0x90000048  }
0xbe: {  	_ =	sfence  }
0xbf: {  	s30 =	sld [smem:$0x0];
	_ =	sdelay $0x2  }
0xc0: {  	s31 =	sshll.u32 s1, $0xD;
	s1 =	sshrl.u32 s1, $0x2  }
0xc1: {  	s3 =	sand.u32 $0x4000, s31;
	s1 =	sadd.s32 s1, s30  }
0xc2: {  	s0 =	sor.u32 s3, s0;
	s1 =	sshll.u32 s1, $0x11  }
0xc3: {  	s0 =	sor.u32 s1, s0  }
0xc4: {  	s0 =	sadd.s32 $0x8F2B, s0  }
0xc5: {  	[sflag:s0] =	ssyncadd.remote.s32 $0x1  }
0xc6: {  	_ =	sfence.sel $0xFFFF  }
0xc7: {  	[dreg:$0x0] =	wrdreg $0xFFFFFFFF;
	(pc) =	sbr.abs _section_cstart, $3  }
0xc8: {  	[dreg:$0x1] =	wrdreg $0xFFFFFFFF  }
0xc9: {  	_ =	task.clear_ibuf [dreg:s9], $0x2FFFF;
	_ =	strace $0x9FFFFFFF  }
0xca: {  	(tm) =	ssettm $0x7FFFFFFF  }
0xcb: {  	_ =	shalt  }
tec
execute0_lowered:
.L_overlay_start_1:
0x0: {  	(tag) =	ssettag $0x1  }
0x1: {  	s1 =	rddreg [dreg:$0x0]  }
0x2: {  	s2 =	srdreg.scid;
	s4 =	rddreg [dreg:$0x1]  }
0x3: {  	s0 =	stileid.u32;
	s9 =	rddreg [dreg:$0x2];
	s6 =	sand.u32 $0x1, s2  }
0x4: {  	s3 =	simm.s32 $0x0;
	s5 =	sshll.u32 s0, $0x6;
	s7 =	sshll.u32 s6, $0x5  }
0x5: {  	[smem:$0x7FF] =	sst s3;
	s10 =	sor.u32 s7, s5  }
0x6: {  	s2 =	rddreg [dreg:$0x3];
	_ =	strace $0x80000047;
	s5 =	sshrl.u32 s10, $0x3  }
0x7: {  	s11 =	ssub.s32 $0x2, s6;
	s5 =	sadd.s32 s4, s5;
	s4 =	simm.s32 $0x2  }
0x8: {  	[tilespmem:s3], [sflag:$0x2] =	stream.linear.gather [hbm4b:s5+s3], $0x20, $0x38;
	[tilespmem:$0x1080] =	vst v63  }
0x9: {  	s8 =	simm.s32 $0x1;
	s12 =	sshrl.u32 s11, $0x1;
	_ =	swait.ge [sflag:s4], $0x20  }
0xa: {  	s6 =	simm.s32 $0x20;
	s11 =	ssub.s32 s11, s12;
	[sflag:s4] =	ssyncset.done $0x0  }
0xb: {  	s7 =	simm.s32 $0x80;
	s31 =	smax.u32 s11, $0x1;
	[sflag:s4] =	ssyncadd.s32 $0xFFFFFFE0  }
0xc: {  	[tilespmem:s7], [sflag:$0x1] =	stream.indirect.gather [hbm4b:s1+s6], $0x80, s3, s6, $0xb8;
	[tilespmem:$0x1080] =	vst v63  }
0xd: {  	p0 =	sne.s32 s31, $0x1;
	_ =	swait.ge [sflag:s8], $0x1000  }
.Ltmp0:
0xe: {  	s10 =	sshll.u32 s10, $0x4;
	[sflag:s8] =	ssyncset.done $0x0;
	(pc) =	sbr.rel @!p0 .LBB2_2-.Ltmp0, $4  }
0xf: {  	s9 =	sadd.s32 s9, s10;
	[sflag:s8] =	ssyncadd.s32 $0xFFFFF000  }
0x10: {  	[hbm4b:s9+s3] =	stream.linear.scatter [tilespmem:s7], [sflag:$0x2], $0x1000, $0x38;
	[tilespmem:$0x1080] =	vst v63  }
0x11: {  	_ =	swait.ge [sflag:s4], $0x1000  }
0x12: {  	s10 =	sadd.s32 $0xFFFFFFFF, s31;
	[sflag:s4] =	ssyncset.done $0x0  }
.LBB2_1:
0x13: {  	p0 =	sne.s32 s10, $0x1;
	s10 =	sadd.s32 $0xFFFFFFFF, s10;
	[sflag:s4] =	ssyncadd.s32 $0xFFFFF000  }
0x14: {  	[tilespmem:s3], [sflag:$0x2] =	stream.linear.gather [hbm4b:s5+s3], $0x20, $0x38;
	[tilespmem:$0x1080] =	vst v63  }
0x15: {  	_ =	swait.ge [sflag:s4], $0x20  }
0x16: {  	[sflag:s4] =	ssyncset.done $0x0  }
0x17: {  	[sflag:s4] =	ssyncadd.s32 $0xFFFFFFE0  }
0x18: {  	[tilespmem:s7], [sflag:$0x1] =	stream.indirect.gather [hbm4b:s1+s6], $0x80, s3, s6, $0xb8;
	[tilespmem:$0x1080] =	vst v63  }
0x19: {  	_ =	swait.ge [sflag:s8], $0x1000  }
.Ltmp1:
0x1a: {  	[sflag:s8] =	ssyncset.done $0x0;
	(pc) =	sbr.rel @p0 .LBB2_1-.Ltmp1, $4  }
0x1b: {  	[sflag:s8] =	ssyncadd.s32 $0xFFFFF000  }
0x1c: {  	[hbm4b:s9+s3] =	stream.linear.scatter [tilespmem:s7], [sflag:$0x2], $0x1000, $0x38;
	[tilespmem:$0x1080] =	vst v63  }
0x1d: {  	_ =	swait.ge [sflag:s4], $0x1000  }
0x1e: {  	[sflag:s4] =	ssyncset.done $0x0  }
.LBB2_2:
0x1f: {  	[sflag:s4] =	ssyncadd.s32 $0xFFFFF000  }
0x20: {  	_ =	sfence.sel $0x180000  }
0x21: {  	[bflag:$0x0] =	sbarrier.arrive $0xFFFF  }
0x22: {  	p0 =	sne.s32 s0, $0x0;
	_ =	strace $0x90000047  }
0x23: {  	s0 =	sadd.s32 @!p0 $0x100000, s2;
	[bflag:$0x2] =	sbarrier.arrive $0xFFFF  }
0x24: {  	[sflag:s0] =	ssyncadd.tile.s32 @!p0 $0x1;
	_ =	shalt  }
.Lfunc_end2:
_tile_overlayer_lowered:
.L_overlay_start_2:
0x25: {  	(tag) =	ssettag $0x2  }
0x26: {  	s0 =	rddreg [dreg:$0x0];
	s2 =	stileid.u32  }
0x27: {  	s1 =	rddreg [dreg:$0x1];
	p0 =	sne.s32 s2, $0x0  }
0x28: {  	s3 =	rddreg [dreg:$0x2];
	[bflag:$0x3] =	sbarrier.arrive $0xFFFF;
	s2 =	simm.s32 @!p0 $0x1C02  }
0x29: {  	[timem:s3], [sflag:s2] =	dma.local @!p0 [hbm:s0], s1  }
0x2a: {  	s0 =	simm.s32 @!p0 $0x2  }
0x2b: {  	_ =	swait.ge @!p0 [sflag:s0], s1  }
0x2c: {  	s1 =	ssub.s32 @!p0 $0x0, s1;
	[sflag:s0] =	ssyncset.done @!p0 $0x0  }
0x2d: {  	[sflag:s0] =	ssyncadd.s32 @!p0 s1  }
0x2e: {  	[bflag:$0x3] =	sbarrier.arrive $0xFFFF  }
0x2f: {  	_ =	shalt  }

</sc_bundles>
